<compile_context>
chip_gen: v7x
topology: tpu7x:2x2x1
jax: 0.10.2.dev20260603
libtpu: 0.0.44.dev20260713+nightly
codegen_flags: <defaults>
</compile_context>

<pallas_src>
import functools

import jax
import jax.numpy as jnp
from jax import lax
from jax.experimental import pallas as pl
from jax.experimental.pallas import tpu as pltpu
from jax.experimental.pallas import tpu_sc as plsc

_CLS_TOKEN_ID = 2
_CHUNK = 16


@functools.lru_cache(maxsize=None)
def _pooler(L, B, S, D):
    mesh = plsc.ScalarSubcoreMesh(axis_name="c", num_cores=1)
    n_chunks = S // _CHUNK

    @functools.partial(
        pl.kernel,
        mesh=mesh,
        compiler_params=pltpu.CompilerParams(needs_layout_passes=False),
        out_type=jax.ShapeDtypeStruct((B, D), jnp.float32),
        scratch_types=[
            pltpu.SMEM((B, _CHUNK), jnp.int32),
            pltpu.SemaphoreType.DMA,
            pltpu.SemaphoreType.DMA,
        ],
    )
    def pool(states_hbm, ids_hbm, out_hbm, ids_s, sem, sem_ids):
        spec = []
        for b in range(B):
            cp = pltpu.make_async_copy(
                states_hbm.at[L - 1, b, pl.ds(S - 1, 1)],
                out_hbm.at[pl.ds(b, 1)],
                sem,
            )
            cp.start()
            spec.append(cp)

        def cond(carry):
            i, idx = carry
            found = jnp.int32(1)
            for b in range(B):
                found = found & (idx[b] >= 0)
            return jnp.logical_and(found == 0, i >= 0)

        def body(carry):
            i, idx = carry
            chunk_cps = [
                pltpu.make_async_copy(
                    ids_hbm.at[b, pl.ds(i * _CHUNK, _CHUNK)], ids_s.at[b], sem_ids
                )
                for b in range(B)
            ]
            for cp in chunk_cps:
                cp.start()
            for cp in chunk_cps:
                cp.wait()

            def scan_row(b, prev):
                def step(j, a):
                    return jnp.where(
                        ids_s[b, j] == _CLS_TOKEN_ID, i * _CHUNK + j, a
                    )

                found = lax.fori_loop(0, _CHUNK, step, jnp.int32(-1))
                return jnp.where(prev < 0, found, prev)

            return i - 1, tuple(scan_row(b, idx[b]) for b in range(B))

        _, idx = lax.while_loop(
            cond, body, (jnp.int32(n_chunks - 1), tuple(jnp.int32(-1) for _ in range(B)))
        )

        for cp in spec:
            cp.wait()

        for b in range(B):
            fix = jnp.where(idx[b] < 0, S - 1, idx[b])

            @pl.when(fix != S - 1)
            def _():
                pltpu.sync_copy(
                    states_hbm.at[L - 1, b, pl.ds(fix, 1)],
                    out_hbm.at[pl.ds(b, 1)],
                )

    return pool


def kernel(layer_states, input_ids, return_final):
    del return_final
    L, B, S, D = layer_states.shape
    return _pooler(L, B, S, D)(layer_states, input_ids)

# --- scband reference (transcript-rebuilt; emitter-appended) ---
"""Pipeline reference for scband-lswttoken-pooler-cls-57870389346998 (READ-ONLY COPY).

The authoritative reference and input builder live on the scoring server;
editing this copy changes nothing except your own understanding.
"""

import jax, jax.numpy as jnp
import numpy as np

CLS_TOKEN_ID = 2

def setup_inputs(seed: int = 0) -> dict:
    key = jax.random.key(seed)
    k1, k2 = jax.random.split(key)
    L, B, S, D = 13, 2, 2048, 1024
    layer_states = jax.random.normal(k1, (L, B, S, D), dtype=jnp.float32)
    input_ids = jax.random.randint(k2, (B, S), 0, 512, dtype=jnp.int32)
    # guarantee at least one CLS token per sequence (final position),
    # mirroring typical usage where the CLS token is appended at the end
    input_ids = input_ids.at[:, -1].set(CLS_TOKEN_ID)
    return {"layer_states": layer_states, "input_ids": input_ids, "return_final": 1}

def reference(layer_states, input_ids, return_final):
    # Faithful translation of LSWTTokenPoolerCLS.forward:
    # asserts return_final, takes the final layer's hidden states, and pools
    # each sequence by gathering the hidden state at the (last) CLS token position.
    states = layer_states[-1]  # [B, S, D] final layer hidden states
    B, S, D = states.shape
    mask = (input_ids == CLS_TOKEN_ID)  # [B, S]
    # last occurrence of the CLS token per sequence
    rev = mask[:, ::-1]
    last_idx = (S - 1) - jnp.argmax(rev.astype(jnp.int32), axis=1)  # [B]
    batch_idx = jnp.arange(B)
    pooled = states[batch_idx, last_idx]  # [B, D] gather of CLS states
    pooled = jnp.where(jnp.asarray(return_final) != 0, pooled,
                       jnp.full_like(pooled, jnp.nan))
    return pooled

if __name__ == "__main__":
    import jax
    _d = setup_inputs()
    print(jax.jit(kernel)(*tuple(_d.values())))

</pallas_src>

<mosaic_0001>
#map = affine_map<(d0) -> (0, 0, 0, 0)>
#map1 = affine_map<(d0) -> (0, 0)>
module attributes {stable_mosaic.version = 14 : i64} {
  func.func @pool(%arg0: i32, %arg1: memref<13x2x2048x1024xf32, #tpu.memory_space<hbm>>, %arg2: memref<2x2048xi32, #tpu.memory_space<hbm>>, %arg3: memref<2x1024xf32, #tpu.memory_space<hbm>>, %arg4: memref<2x16xi32, #tpu.memory_space<smem>>, %arg5: memref<!tpu.dma_semaphore, #tpu.memory_space<semaphore_mem>>, %arg6: memref<!tpu.dma_semaphore, #tpu.memory_space<semaphore_mem>>) attributes {dimension_semantics = [#tpu.dimension_semantics<core_parallel>], iteration_bounds = array<i64: 1>, scalar_prefetch = 0 : i64, scratch_operands = 3 : i64, tpu.core_type = #tpu.core_type<sc_scalar_subcore>, window_params = [{transform_indices = #map}, {transform_indices = #map1}, {transform_indices = #map1}]} {
    %dma_start3A = arith.constant 12 : i32
    %dma_start3A_0 = arith.constant 0 : i32
    %dma_start3A_1 = arith.constant 0 : i32
    %dma_start3A_2 = arith.constant 0 : i32
    %dma_start3A_3 = tpu.memref_slice %arg3[%dma_start3A_1, %dma_start3A_2] : memref<2x1024xf32, #tpu.memory_space<hbm>> -> memref<1x1024xf32, #tpu.memory_space<hbm>>
    %dma_start3A_4 = arith.constant 2047 : i32
    %dma_start3A_5 = arith.constant 0 : i32
    %dma_start3A_6 = tpu.memref_slice %arg1[%dma_start3A, %dma_start3A_0, %dma_start3A_4, %dma_start3A_5] : memref<13x2x2048x1024xf32, #tpu.memory_space<hbm>> -> memref<1x1x1x1024xf32, #tpu.memory_space<hbm>>
    %dma_start3A_7 = tpu.memref_squeeze %dma_start3A_6 : memref<1x1x1x1024xf32, #tpu.memory_space<hbm>> -> memref<1x1024xf32, #tpu.memory_space<hbm>>
    tpu.enqueue_dma source(%dma_start3A_7 : memref<1x1024xf32, #tpu.memory_space<hbm>>) target(%dma_start3A_3 : memref<1x1024xf32, #tpu.memory_space<hbm>>) target_semaphore(%arg5 : memref<!tpu.dma_semaphore, #tpu.memory_space<semaphore_mem>>)
    %dma_start3A_8 = arith.constant 12 : i32
    %dma_start3A_9 = arith.constant 1 : i32
    %dma_start3A_10 = arith.constant 1 : i32
    %dma_start3A_11 = arith.constant 0 : i32
    %dma_start3A_12 = tpu.memref_slice %arg3[%dma_start3A_10, %dma_start3A_11] : memref<2x1024xf32, #tpu.memory_space<hbm>> -> memref<1x1024xf32, #tpu.memory_space<hbm>>
    %dma_start3A_13 = arith.constant 2047 : i32
    %dma_start3A_14 = arith.constant 0 : i32
    %dma_start3A_15 = tpu.memref_slice %arg1[%dma_start3A_8, %dma_start3A_9, %dma_start3A_13, %dma_start3A_14] : memref<13x2x2048x1024xf32, #tpu.memory_space<hbm>> -> memref<1x1x1x1024xf32, #tpu.memory_space<hbm>>
    %dma_start3A_16 = tpu.memref_squeeze %dma_start3A_15 : memref<1x1x1x1024xf32, #tpu.memory_space<hbm>> -> memref<1x1024xf32, #tpu.memory_space<hbm>>
    tpu.enqueue_dma source(%dma_start3A_16 : memref<1x1024xf32, #tpu.memory_space<hbm>>) target(%dma_start3A_12 : memref<1x1024xf32, #tpu.memory_space<hbm>>) target_semaphore(%arg5 : memref<!tpu.dma_semaphore, #tpu.memory_space<semaphore_mem>>)
    %while3A = arith.constant 127 : i32
    %while3A_17 = arith.constant -1 : i32
    %while3A_18 = arith.constant -1 : i32
    %while3A_19:3 = scf.while (%while3A_49 = %while3A, %while3A_50 = %while3A_17, %while3A_51 = %while3A_18) : (i32, i32, i32) -> (i32, i32, i32) {
      %ge3A = arith.constant 0 : i32
      %ge3A_52 = arith.cmpi sge, %while3A_50, %ge3A : i32
      %convert_element_type3A_53 = arith.extui %ge3A_52 : i1 to i32
      %and3A = arith.constant 1 : i32
      %and3A_54 = arith.andi %and3A, %convert_element_type3A_53 : i32
      %ge3A_55 = arith.constant 0 : i32
      %ge3A_56 = arith.cmpi sge, %while3A_51, %ge3A_55 : i32
      %convert_element_type3A_57 = arith.extui %ge3A_56 : i1 to i32
      %and3A_58 = arith.andi %and3A_54, %convert_element_type3A_57 : i32
      %eq3A = arith.constant 0 : i32
      %eq3A_59 = arith.cmpi eq, %and3A_58, %eq3A : i32
      %ge3A_60 = arith.constant 0 : i32
      %ge3A_61 = arith.cmpi sge, %while3A_49, %ge3A_60 : i32
      %and3A_62 = arith.andi %eq3A_59, %ge3A_61 : i1
      scf.condition(%and3A_62) %while3A_49, %while3A_50, %while3A_51 : i32, i32, i32
    } do {
    ^bb0(%while3A_49: i32, %while3A_50: i32, %while3A_51: i32):
      %mul3A = arith.constant 16 : i32
      %mul3A_52 = arith.muli %while3A_49, %mul3A : i32
      %mul3A_53 = arith.constant 16 : i32
      %mul3A_54 = arith.muli %while3A_49, %mul3A_53 : i32
      %dma_start3A_55 = arith.constant 0 : i32
      %dma_start3A_56 = arith.constant 0 : i32
      %dma_start3A_57 = arith.constant 0 : i32
      %dma_start3A_58 = tpu.memref_slice %arg4[%dma_start3A_56, %dma_start3A_57] : memref<2x16xi32, #tpu.memory_space<smem>> -> memref<1x16xi32, #tpu.memory_space<smem>>
      %dma_start3A_59 = tpu.memref_squeeze %dma_start3A_58 : memref<1x16xi32, #tpu.memory_space<smem>> -> memref<16xi32, #tpu.memory_space<smem>>
      %dma_start3A_60 = tpu.memref_slice %arg2[%dma_start3A_55, %mul3A_52] : memref<2x2048xi32, #tpu.memory_space<hbm>> -> memref<1x16xi32, #tpu.memory_space<hbm>>
      %dma_start3A_61 = tpu.memref_squeeze %dma_start3A_60 : memref<1x16xi32, #tpu.memory_space<hbm>> -> memref<16xi32, #tpu.memory_space<hbm>>
      tpu.enqueue_dma source(%dma_start3A_61 : memref<16xi32, #tpu.memory_space<hbm>>) target(%dma_start3A_59 : memref<16xi32, #tpu.memory_space<smem>>) target_semaphore(%arg6 : memref<!tpu.dma_semaphore, #tpu.memory_space<semaphore_mem>>)
      %dma_start3A_62 = arith.constant 1 : i32
      %dma_start3A_63 = arith.constant 1 : i32
      %dma_start3A_64 = arith.constant 0 : i32
      %dma_start3A_65 = tpu.memref_slice %arg4[%dma_start3A_63, %dma_start3A_64] : memref<2x16xi32, #tpu.memory_space<smem>> -> memref<1x16xi32, #tpu.memory_space<smem>>
      %dma_start3A_66 = tpu.memref_squeeze %dma_start3A_65 : memref<1x16xi32, #tpu.memory_space<smem>> -> memref<16xi32, #tpu.memory_space<smem>>
      %dma_start3A_67 = tpu.memref_slice %arg2[%dma_start3A_62, %mul3A_54] : memref<2x2048xi32, #tpu.memory_space<hbm>> -> memref<1x16xi32, #tpu.memory_space<hbm>>
      %dma_start3A_68 = tpu.memref_squeeze %dma_start3A_67 : memref<1x16xi32, #tpu.memory_space<hbm>> -> memref<16xi32, #tpu.memory_space<hbm>>
      tpu.enqueue_dma source(%dma_start3A_68 : memref<16xi32, #tpu.memory_space<hbm>>) target(%dma_start3A_66 : memref<16xi32, #tpu.memory_space<smem>>) target_semaphore(%arg6 : memref<!tpu.dma_semaphore, #tpu.memory_space<semaphore_mem>>)
      %dma_wait3A_69 = arith.constant 0 : i32
      %dma_wait3A_70 = arith.constant 0 : i32
      %dma_wait3A_71 = arith.constant 0 : i32
      %dma_wait3A_72 = tpu.memref_slice %arg4[%dma_wait3A_70, %dma_wait3A_71] : memref<2x16xi32, #tpu.memory_space<smem>> -> memref<1x16xi32, #tpu.memory_space<smem>>
      %dma_wait3A_73 = tpu.memref_squeeze %dma_wait3A_72 : memref<1x16xi32, #tpu.memory_space<smem>> -> memref<16xi32, #tpu.memory_space<smem>>
      %dma_wait3A_74 = tpu.memref_slice %arg2[%dma_wait3A_69, %mul3A_52] : memref<2x2048xi32, #tpu.memory_space<hbm>> -> memref<1x16xi32, #tpu.memory_space<hbm>>
      %dma_wait3A_75 = tpu.memref_squeeze %dma_wait3A_74 : memref<1x16xi32, #tpu.memory_space<hbm>> -> memref<16xi32, #tpu.memory_space<hbm>>
      tpu.wait_dma2 semaphore(%arg6 : memref<!tpu.dma_semaphore, #tpu.memory_space<semaphore_mem>>) src(%dma_wait3A_75 : memref<16xi32, #tpu.memory_space<hbm>>) dst(%dma_wait3A_73 : memref<16xi32, #tpu.memory_space<smem>>)
      %dma_wait3A_76 = arith.constant 1 : i32
      %dma_wait3A_77 = arith.constant 1 : i32
      %dma_wait3A_78 = arith.constant 0 : i32
      %dma_wait3A_79 = tpu.memref_slice %arg4[%dma_wait3A_77, %dma_wait3A_78] : memref<2x16xi32, #tpu.memory_space<smem>> -> memref<1x16xi32, #tpu.memory_space<smem>>
      %dma_wait3A_80 = tpu.memref_squeeze %dma_wait3A_79 : memref<1x16xi32, #tpu.memory_space<smem>> -> memref<16xi32, #tpu.memory_space<smem>>
      %dma_wait3A_81 = tpu.memref_slice %arg2[%dma_wait3A_76, %mul3A_54] : memref<2x2048xi32, #tpu.memory_space<hbm>> -> memref<1x16xi32, #tpu.memory_space<hbm>>
      %dma_wait3A_82 = tpu.memref_squeeze %dma_wait3A_81 : memref<1x16xi32, #tpu.memory_space<hbm>> -> memref<16xi32, #tpu.memory_space<hbm>>
      tpu.wait_dma2 semaphore(%arg6 : memref<!tpu.dma_semaphore, #tpu.memory_space<semaphore_mem>>) src(%dma_wait3A_82 : memref<16xi32, #tpu.memory_space<hbm>>) dst(%dma_wait3A_80 : memref<16xi32, #tpu.memory_space<smem>>)
      %sub3A = arith.constant 1 : i32
      %sub3A_83 = arith.subi %while3A_49, %sub3A : i32
      %scan3A = arith.constant -1 : i32
      %scan3A_84 = arith.constant 0 : i32
      %scan3A_85 = arith.constant 16 : i32
      %scan3A_86 = arith.addi %scan3A_84, %scan3A_85 : i32
      %scan3A_87 = arith.constant 1 : i32
      %scan3A_88 = scf.for %scan3A_103 = %scan3A_84 to %scan3A_86 step %scan3A_87 iter_args(%scan3A_104 = %scan3A) -> (i32)  : i32 {
        %get3A = arith.constant 0 : i32
        %get3A_105 = arith.index_cast %get3A : i32 to index
        %get3A_106 = arith.index_cast %scan3A_103 : i32 to index
        %get3A_107 = memref.load %arg4[%get3A_105, %get3A_106] : memref<2x16xi32, #tpu.memory_space<smem>>
        %eq3A = arith.constant 2 : i32
        %eq3A_108 = arith.cmpi eq, %get3A_107, %eq3A : i32
        %mul3A_109 = arith.constant 16 : i32
        %mul3A_110 = arith.muli %while3A_49, %mul3A_109 : i32
        %add3A = arith.addi %mul3A_110, %scan3A_103 : i32
        %select_n3A_111 = arith.select %eq3A_108, %add3A, %scan3A_104 : i32
        scf.yield %select_n3A_111 : i32
      }
      %scan3A_89 = arith.constant 16 : i32
      %lt3A_90 = arith.constant 0 : i32
      %lt3A_91 = arith.cmpi slt, %while3A_50, %lt3A_90 : i32
      %select_n3A_92 = arith.select %lt3A_91, %scan3A_88, %while3A_50 : i32
      %scan3A_93 = arith.constant -1 : i32
      %scan3A_94 = arith.constant 0 : i32
      %scan3A_95 = arith.constant 16 : i32
      %scan3A_96 = arith.addi %scan3A_94, %scan3A_95 : i32
      %scan3A_97 = arith.constant 1 : i32
      %scan3A_98 = scf.for %scan3A_103 = %scan3A_94 to %scan3A_96 step %scan3A_97 iter_args(%scan3A_104 = %scan3A_93) -> (i32)  : i32 {
        %get3A = arith.constant 1 : i32
        %get3A_105 = arith.index_cast %get3A : i32 to index
        %get3A_106 = arith.index_cast %scan3A_103 : i32 to index
        %get3A_107 = memref.load %arg4[%get3A_105, %get3A_106] : memref<2x16xi32, #tpu.memory_space<smem>>
        %eq3A = arith.constant 2 : i32
        %eq3A_108 = arith.cmpi eq, %get3A_107, %eq3A : i32
        %mul3A_109 = arith.constant 16 : i32
        %mul3A_110 = arith.muli %while3A_49, %mul3A_109 : i32
        %add3A = arith.addi %mul3A_110, %scan3A_103 : i32
        %select_n3A_111 = arith.select %eq3A_108, %add3A, %scan3A_104 : i32
        scf.yield %select_n3A_111 : i32
      }
      %scan3A_99 = arith.constant 16 : i32
      %lt3A_100 = arith.constant 0 : i32
      %lt3A_101 = arith.cmpi slt, %while3A_51, %lt3A_100 : i32
      %select_n3A_102 = arith.select %lt3A_101, %scan3A_98, %while3A_51 : i32
      scf.yield %sub3A_83, %select_n3A_92, %select_n3A_102 : i32, i32, i32
    }
    %dma_wait3A = arith.constant 12 : i32
    %dma_wait3A_20 = arith.constant 0 : i32
    %dma_wait3A_21 = arith.constant 0 : i32
    %dma_wait3A_22 = arith.constant 0 : i32
    %dma_wait3A_23 = tpu.memref_slice %arg3[%dma_wait3A_21, %dma_wait3A_22] : memref<2x1024xf32, #tpu.memory_space<hbm>> -> memref<1x1024xf32, #tpu.memory_space<hbm>>
    %dma_wait3A_24 = arith.constant 2047 : i32
    %dma_wait3A_25 = arith.constant 0 : i32
    %dma_wait3A_26 = tpu.memref_slice %arg1[%dma_wait3A, %dma_wait3A_20, %dma_wait3A_24, %dma_wait3A_25] : memref<13x2x2048x1024xf32, #tpu.memory_space<hbm>> -> memref<1x1x1x1024xf32, #tpu.memory_space<hbm>>
    %dma_wait3A_27 = tpu.memref_squeeze %dma_wait3A_26 : memref<1x1x1x1024xf32, #tpu.memory_space<hbm>> -> memref<1x1024xf32, #tpu.memory_space<hbm>>
    tpu.wait_dma2 semaphore(%arg5 : memref<!tpu.dma_semaphore, #tpu.memory_space<semaphore_mem>>) src(%dma_wait3A_27 : memref<1x1024xf32, #tpu.memory_space<hbm>>) dst(%dma_wait3A_23 : memref<1x1024xf32, #tpu.memory_space<hbm>>)
    %dma_wait3A_28 = arith.constant 12 : i32
    %dma_wait3A_29 = arith.constant 1 : i32
    %dma_wait3A_30 = arith.constant 1 : i32
    %dma_wait3A_31 = arith.constant 0 : i32
    %dma_wait3A_32 = tpu.memref_slice %arg3[%dma_wait3A_30, %dma_wait3A_31] : memref<2x1024xf32, #tpu.memory_space<hbm>> -> memref<1x1024xf32, #tpu.memory_space<hbm>>
    %dma_wait3A_33 = arith.constant 2047 : i32
    %dma_wait3A_34 = arith.constant 0 : i32
    %dma_wait3A_35 = tpu.memref_slice %arg1[%dma_wait3A_28, %dma_wait3A_29, %dma_wait3A_33, %dma_wait3A_34] : memref<13x2x2048x1024xf32, #tpu.memory_space<hbm>> -> memref<1x1x1x1024xf32, #tpu.memory_space<hbm>>
    %dma_wait3A_36 = tpu.memref_squeeze %dma_wait3A_35 : memref<1x1x1x1024xf32, #tpu.memory_space<hbm>> -> memref<1x1024xf32, #tpu.memory_space<hbm>>
    tpu.wait_dma2 semaphore(%arg5 : memref<!tpu.dma_semaphore, #tpu.memory_space<semaphore_mem>>) src(%dma_wait3A_36 : memref<1x1024xf32, #tpu.memory_space<hbm>>) dst(%dma_wait3A_32 : memref<1x1024xf32, #tpu.memory_space<hbm>>)
    %lt3A = arith.constant 0 : i32
    %lt3A_37 = arith.cmpi slt, %while3A_19#1, %lt3A : i32
    %jit3A = arith.constant 2047 : i32
    %select_n3A = arith.select %lt3A_37, %jit3A, %while3A_19#1 : i32
    %ne3A = arith.constant 2047 : i32
    %ne3A_38 = arith.cmpi ne, %select_n3A, %ne3A : i32
    %convert_element_type3A = arith.extui %ne3A_38 : i1 to i32
    %cond3A = arith.constant 0 : i32
    %cond3A_39 = arith.cmpi ne, %convert_element_type3A, %cond3A : i32
    scf.if %cond3A_39 {
      %run_scoped3A = arith.constant 12 : i32
      %run_scoped3A_49 = arith.constant 0 : i32
      "tpu.region"() ({
        %run_scoped3A_50 = tpu.sem_alloc : memref<!tpu.dma_semaphore, #tpu.memory_space<semaphore_mem>>
        %dma_start3A_51 = arith.constant 0 : i32
        %dma_start3A_52 = arith.constant 0 : i32
        %dma_start3A_53 = tpu.memref_slice %arg3[%dma_start3A_51, %dma_start3A_52] : memref<2x1024xf32, #tpu.memory_space<hbm>> -> memref<1x1024xf32, #tpu.memory_space<hbm>>
        %dma_start3A_54 = arith.constant 0 : i32
        %dma_start3A_55 = tpu.memref_slice %arg1[%run_scoped3A, %run_scoped3A_49, %select_n3A, %dma_start3A_54] : memref<13x2x2048x1024xf32, #tpu.memory_space<hbm>> -> memref<1x1x1x1024xf32, #tpu.memory_space<hbm>>
        %dma_start3A_56 = tpu.memref_squeeze %dma_start3A_55 : memref<1x1x1x1024xf32, #tpu.memory_space<hbm>> -> memref<1x1024xf32, #tpu.memory_space<hbm>>
        tpu.enqueue_dma source(%dma_start3A_56 : memref<1x1024xf32, #tpu.memory_space<hbm>>) target(%dma_start3A_53 : memref<1x1024xf32, #tpu.memory_space<hbm>>) target_semaphore(%run_scoped3A_50 : memref<!tpu.dma_semaphore, #tpu.memory_space<semaphore_mem>>)
        %dma_wait3A_57 = arith.constant 0 : i32
        %dma_wait3A_58 = arith.constant 0 : i32
        %dma_wait3A_59 = tpu.memref_slice %arg3[%dma_wait3A_57, %dma_wait3A_58] : memref<2x1024xf32, #tpu.memory_space<hbm>> -> memref<1x1024xf32, #tpu.memory_space<hbm>>
        %dma_wait3A_60 = arith.constant 0 : i32
        %dma_wait3A_61 = tpu.memref_slice %arg1[%run_scoped3A, %run_scoped3A_49, %select_n3A, %dma_wait3A_60] : memref<13x2x2048x1024xf32, #tpu.memory_space<hbm>> -> memref<1x1x1x1024xf32, #tpu.memory_space<hbm>>
        %dma_wait3A_62 = tpu.memref_squeeze %dma_wait3A_61 : memref<1x1x1x1024xf32, #tpu.memory_space<hbm>> -> memref<1x1024xf32, #tpu.memory_space<hbm>>
        tpu.wait_dma2 semaphore(%run_scoped3A_50 : memref<!tpu.dma_semaphore, #tpu.memory_space<semaphore_mem>>) src(%dma_wait3A_62 : memref<1x1024xf32, #tpu.memory_space<hbm>>) dst(%dma_wait3A_59 : memref<1x1024xf32, #tpu.memory_space<hbm>>)
        tpu.yield
      }) : () -> ()
    } else {
    }
    %lt3A_40 = arith.constant 0 : i32
    %lt3A_41 = arith.cmpi slt, %while3A_19#2, %lt3A_40 : i32
    %jit3A_42 = arith.constant 2047 : i32
    %select_n3A_43 = arith.select %lt3A_41, %jit3A_42, %while3A_19#2 : i32
    %ne3A_44 = arith.constant 2047 : i32
    %ne3A_45 = arith.cmpi ne, %select_n3A_43, %ne3A_44 : i32
    %convert_element_type3A_46 = arith.extui %ne3A_45 : i1 to i32
    %cond3A_47 = arith.constant 0 : i32
    %cond3A_48 = arith.cmpi ne, %convert_element_type3A_46, %cond3A_47 : i32
    scf.if %cond3A_48 {
      %run_scoped3A = arith.constant 12 : i32
      %run_scoped3A_49 = arith.constant 1 : i32
      "tpu.region"() ({
        %run_scoped3A_50 = tpu.sem_alloc : memref<!tpu.dma_semaphore, #tpu.memory_space<semaphore_mem>>
        %dma_start3A_51 = arith.constant 1 : i32
        %dma_start3A_52 = arith.constant 0 : i32
        %dma_start3A_53 = tpu.memref_slice %arg3[%dma_start3A_51, %dma_start3A_52] : memref<2x1024xf32, #tpu.memory_space<hbm>> -> memref<1x1024xf32, #tpu.memory_space<hbm>>
        %dma_start3A_54 = arith.constant 0 : i32
        %dma_start3A_55 = tpu.memref_slice %arg1[%run_scoped3A, %run_scoped3A_49, %select_n3A_43, %dma_start3A_54] : memref<13x2x2048x1024xf32, #tpu.memory_space<hbm>> -> memref<1x1x1x1024xf32, #tpu.memory_space<hbm>>
        %dma_start3A_56 = tpu.memref_squeeze %dma_start3A_55 : memref<1x1x1x1024xf32, #tpu.memory_space<hbm>> -> memref<1x1024xf32, #tpu.memory_space<hbm>>
        tpu.enqueue_dma source(%dma_start3A_56 : memref<1x1024xf32, #tpu.memory_space<hbm>>) target(%dma_start3A_53 : memref<1x1024xf32, #tpu.memory_space<hbm>>) target_semaphore(%run_scoped3A_50 : memref<!tpu.dma_semaphore, #tpu.memory_space<semaphore_mem>>)
        %dma_wait3A_57 = arith.constant 1 : i32
        %dma_wait3A_58 = arith.constant 0 : i32
        %dma_wait3A_59 = tpu.memref_slice %arg3[%dma_wait3A_57, %dma_wait3A_58] : memref<2x1024xf32, #tpu.memory_space<hbm>> -> memref<1x1024xf32, #tpu.memory_space<hbm>>
        %dma_wait3A_60 = arith.constant 0 : i32
        %dma_wait3A_61 = tpu.memref_slice %arg1[%run_scoped3A, %run_scoped3A_49, %select_n3A_43, %dma_wait3A_60] : memref<13x2x2048x1024xf32, #tpu.memory_space<hbm>> -> memref<1x1x1x1024xf32, #tpu.memory_space<hbm>>
        %dma_wait3A_62 = tpu.memref_squeeze %dma_wait3A_61 : memref<1x1x1x1024xf32, #tpu.memory_space<hbm>> -> memref<1x1024xf32, #tpu.memory_space<hbm>>
        tpu.wait_dma2 semaphore(%run_scoped3A_50 : memref<!tpu.dma_semaphore, #tpu.memory_space<semaphore_mem>>) src(%dma_wait3A_62 : memref<1x1024xf32, #tpu.memory_space<hbm>>) dst(%dma_wait3A_59 : memref<1x1024xf32, #tpu.memory_space<hbm>>)
        tpu.yield
      }) : () -> ()
    } else {
    }
    return
  }
}

</mosaic_0001>

<sc_bundles>
// kernel: kernel.3.cloned.1.call-start
scs
__scs_entry_jumppad:
0x0: {  	(pc) =	sbr.rel $0x88, $3  }
0x1: {  	(tag) =	ssettag $0x0;
	lr =	simm.s32 $0x1  }
0x2: {  	[smem:$0x3F9F] =	sst lr;
	_ =	strace $0xD0000000  }
0x3: {  	_ = 	snop  }
0x4: {  	_ = 	snop  }
0x5: {  	_ = 	snop  }
0x6: {  	_ = 	snop  }
0x7: {  	_ = 	snop  }
__scs_overlays_trampoline_lowered:
0x8: {  	[smem:$0x3FAE] =	sst s0  }
0x9: {  	[smem:$0x3FAF] =	sst s1  }
0xa: {  	[smem:$0x3FB0] =	sst s2  }
0xb: {  	[smem:$0x3FB1] =	sst s3  }
0xc: {  	[smem:$0x3FB2] =	sst s4  }
0xd: {  	[smem:$0x3FB3] =	sst s5  }
0xe: {  	[smem:$0x3FB4] =	sst s6  }
0xf: {  	[smem:$0x3FB5] =	sst s7  }
0x10: {  	[smem:$0x3FB6] =	sst s8  }
0x11: {  	[smem:$0x3FB7] =	sst s9;
	s0 =	simm.s32 @!p0 $0x0  }
0x12: {  	s1 =	sld [smem:$0x3F9D];
	s0 =	simm.s32 @p0 $0x1  }
0x13: {  	[smem:$0x3FB8] =	sst s0;
	s0 =	simm.s32 @!p1 $0x0  }
0x14: {  	s2 =	sld [smem:$0x3F9C];
	s0 =	simm.s32 @p1 $0x1  }
0x15: {  	[smem:$0x3FB9] =	sst s0;
	s0 =	simm.s32 @!p2 $0x0  }
0x16: {  	s3 =	sld [smem:$0x3FDB];
	s0 =	simm.s32 @p2 $0x1  }
0x17: {  	s4 =	simm.s32 $0x1BF5;
	[smem:$0x3FBB] =	sst s0  }
0x18: {  	s0 =	sld [smem:$0x3F9E];
	_ =	swait.ge [sflag:s4], $0x0  }
0x19: {  	s7 =	sld [smem:$0x3F9F]  }
0x1a: {  	s8 =	sadd.s32 $0xFFFFE003, lr  }
0x1b: {  	s9 =	sadd.s32 $0xFFFFFEF7, lr;
	s5 =	simm.s32 $0xFFFFFFFF;
	p2 =	slt.u32 s8, $0xFFFFF086  }
0x1c: {  	p1 =	slt.u32 s9, $0xF7A;
	s5 =	simm.s32 @!p2 $0x0  }
0x1d: {  	s5 =	simm.s32 @p1 $0x1;
	p0 =	seq.s32 s7, s2  }
0x1e: {  	s7 =	smul.u32 @!p0 $0xF7A, s2;
	p2 =	seq.s32 @!p0 s5, $0x0  }
0x1f: {  	s9 =	smul.u32 $0xF7A, s1;
	s8 =	simm.s32 @!p0 $0x1BF5;
	p2 =	por !p2, p0  }
0x20: {  	[sflag:s8] =	ssyncset.s32 @!p0 $0xFFFFF086;
	s6 =	sadd.s32 @!p0 s3, s7;
	s7 =	simm.s32 @!p0 $0x108  }
0x21: {  	s3 =	sadd.s32 s3, s9;
	s6 =	sadd.s32 @!p0 $0x88, s6;
	s7 =	simm.s32 @p2 $0x1082  }
0x22: {  	[simem:s7], [sflag:s8] =	dma.local @!p0 [hbm:s6], $0xF7A  }
0x23: {  	s9 =	sor.u32 $0xD0000000, s2;
	s6 =	simm.s32 $0x108;
	_ =	swait.ge @!p0 [sflag:s8], $0x0  }
0x24: {  	s3 =	sadd.s32 $0x88, s3;
	s6 =	simm.s32 @!p1 $0x1082;
	[sflag:s4] =	ssyncset.s32 $0xFFFFF086  }
0x25: {  	[simem:s6], [sflag:s4] =	dma.local [hbm:s3], $0xF7A  }
0x26: {  	[smem:$0x3F9F] =	sst s1;
	(tag) =	ssettag s2;
	_ =	strace s9  }
0x27: {  	s1 =	sld [smem:$0x3FAF]  }
0x28: {  	s2 =	sld [smem:$0x3FB0]  }
0x29: {  	s4 =	sld [smem:$0x3FB2]  }
0x2a: {  	p0 =	seq.s32 s5, $0x0;
	s5 =	sld [smem:$0x3FB3]  }
0x2b: {  	s6 =	sld [smem:$0x3FB4]  }
0x2c: {  	s7 =	sld [smem:$0x3FB5]  }
0x2d: {  	s3 =	simm.s32 $0x108;
	s8 =	sld [smem:$0x3FB6]  }
0x2e: {  	s3 =	simm.s32 @!p0 $0x1082;
	s9 =	sld [smem:$0x3FB7]  }
0x2f: {  	lr =	sadd.s32 s0, s3;
	s0 =	sld [smem:$0x3FAE]  }
0x30: {  	s3 =	sld [smem:$0x3FB1]  }
0x31: {  	[smem:$0x3FBA] =	sst s10  }
0x32: {  	s10 =	sld [smem:$0x3FB8];
	_ =	sdelay $0x3  }
0x33: {  	p0 =	seq.s32 s10, $0x1;
	s10 =	sld [smem:$0x3FBA];
	_ =	sdelay $0x3  }
0x34: {  	[smem:$0x3FBA] =	sst s10  }
0x35: {  	s10 =	sld [smem:$0x3FB9];
	_ =	sdelay $0x3  }
0x36: {  	p1 =	seq.s32 s10, $0x1;
	s10 =	sld [smem:$0x3FBA];
	_ =	sdelay $0x3  }
0x37: {  	[smem:$0x3FBA] =	sst s10  }
0x38: {  	s10 =	sld [smem:$0x3FBB]  }
0x39: {  	_ = 	snop;
	(pc) =	sbr.ind lr, $3  }
0x3a: {  	_ = 	snop  }
0x3b: {  	_ = 	snop  }
0x3c: {  	p2 =	seq.s32 s10, $0x1;
	s10 =	sld [smem:$0x3FBA]  }
0x3d: {  	_ =	shalt  }
0x3e: {  	_ =	shalt  }
0x3f: {  	_ =	shalt  }
0x40: {  	_ =	shalt  }
0x41: {  	_ =	shalt  }
0x42: {  	_ =	shalt  }
0x43: {  	_ =	shalt  }
0x44: {  	_ =	shalt  }
0x45: {  	_ =	shalt  }
0x46: {  	_ =	shalt  }
0x47: {  	_ =	shalt  }
0x48: {  	_ =	shalt  }
0x49: {  	_ =	shalt  }
0x4a: {  	_ =	shalt  }
0x4b: {  	_ =	shalt  }
0x4c: {  	_ =	shalt  }
0x4d: {  	_ =	shalt  }
0x4e: {  	_ =	shalt  }
0x4f: {  	_ =	shalt  }
0x50: {  	_ =	shalt  }
0x51: {  	_ =	shalt  }
0x52: {  	_ =	shalt  }
0x53: {  	_ =	shalt  }
0x54: {  	_ =	shalt  }
0x55: {  	_ =	shalt  }
0x56: {  	_ =	shalt  }
0x57: {  	_ =	shalt  }
0x58: {  	_ =	shalt  }
0x59: {  	_ =	shalt  }
0x5a: {  	_ =	shalt  }
0x5b: {  	_ =	shalt  }
0x5c: {  	_ =	shalt  }
0x5d: {  	_ =	shalt  }
0x5e: {  	_ =	shalt  }
0x5f: {  	_ =	shalt  }
0x60: {  	_ =	shalt  }
0x61: {  	_ =	shalt  }
0x62: {  	_ =	shalt  }
0x63: {  	_ =	shalt  }
0x64: {  	_ =	shalt  }
0x65: {  	_ =	shalt  }
0x66: {  	_ =	shalt  }
0x67: {  	_ =	shalt  }
0x68: {  	_ =	shalt  }
0x69: {  	_ =	shalt  }
0x6a: {  	_ =	shalt  }
0x6b: {  	_ =	shalt  }
0x6c: {  	_ =	shalt  }
0x6d: {  	_ =	shalt  }
0x6e: {  	_ =	shalt  }
0x6f: {  	_ =	shalt  }
0x70: {  	_ =	shalt  }
0x71: {  	_ =	shalt  }
0x72: {  	_ =	shalt  }
0x73: {  	_ =	shalt  }
0x74: {  	_ =	shalt  }
0x75: {  	_ =	shalt  }
0x76: {  	_ =	shalt  }
0x77: {  	_ =	shalt  }
0x78: {  	_ =	shalt  }
0x79: {  	_ =	shalt  }
0x7a: {  	_ =	shalt  }
0x7b: {  	_ =	shalt  }
0x7c: {  	_ =	shalt  }
0x7d: {  	_ =	shalt  }
0x7e: {  	_ =	shalt  }
0x7f: {  	_ =	shalt  }
0x80: {  	_ =	shalt  }
0x81: {  	_ =	shalt  }
0x82: {  	_ =	shalt  }
0x83: {  	_ =	shalt  }
0x84: {  	_ =	shalt  }
0x85: {  	_ =	shalt  }
0x86: {  	_ =	shalt  }
0x87: {  	_ =	shalt  }
.Lfunc_end0:
.L_simem_size_0:
called_computation_lowered:
.L_overlay_start_0:
0x88: {  	s0 =	sld [smem:$0x3FD9]  }
0x89: {  	s1 =	sld [smem:$0x3FFE];
	_ =	sdelay $0x3  }
0x8a: {  	s0 =	sadd.s32 s1, s0  }
0x8b: {  	s2 =	simm.s32 $0x0;
	[smem:$0x3FC6] =	sst s0  }
0x8c: {  	[smem:$0xF] =	sst s2  }
0x8d: {  	s0 =	sld [smem:$0x3FC9]  }
0x8e: {  	s4 =	sld [smem:$0x3FC8]  }
0x8f: {  	s1 =	sld [smem:$0x3FD0];
	(tm) =	ssettm $0x1  }
0x90: {  	s26 =	sld [smem:$0x3FFB];
	_ =	sdelay $0x3  }
0x91: {  	_ =	strace s26  }
0x92: {  	s2 =	sld [smem:$0x3FFC];
	_ =	sdelay $0x3  }
0x93: {  	_ =	strace s2  }
0x94: {  	s2 =	sld [smem:$0x3FFD];
	_ =	sdelay $0x3  }
0x95: {  	_ =	strace s2  }
0x96: {  	s28 =	simm.s32 $0x1B8B;
	_ =	strace $0x8FFFFFFF  }
0x97: {  	s29 =	simm.s32 $0x1B8E;
	s5 =	simm.s32 $0x1;
	_ =	swait.ge [sflag:s28], $0x1  }
0x98: {  	s6 =	simm.s32 $0x20;
	s7 =	simm.s32 $0x80;
	[sflag:s28] =	ssyncset.done $0x0  }
0x99: {  	s8 =	simm.s32 $0x9;
	s9 =	simm.s32 $0xA;
	[sflag:s28] =	ssyncadd.s32 $0xFFFFFFFF  }
0x9a: {  	s10 =	simm.s32 $0x10;
	s30 =	sadd.s32 $0x63FC70, s0;
	[smem:$0x3FD2] =	sst s29  }
0x9b: {  	s31 =	sadd.s32 $0x67FC70, s0;
	s3 =	sadd.s32 $0x10, s1;
	_ =	strace $0x80000046  }
0x9c: {  	[hbm:s1@s6], [sflag:s8] =	dma.strided [hbm:s30@s7], $0x80, s5, $0x10   }
0x9d: {  	[hbm:s3@s6], [sflag:s8] =	dma.strided [hbm:s31@s7], $0x80, s5, $0x10   }
0x9e: {  	s11 =	simm.s32 $0x90;
	s2 =	srdreg.scid;
	s5 =	simm.s32 $0xFFFFFFFF  }
0x9f: {  	s7 =	simm.s32 $0x7F0;
	s8 =	simm.s32 $0xFE0;
	s6 =	simm.s32 $0xFFFFFFFF  }
.LBB1_1:
0xa0: {  	s12 =	sand.u32 $0xFFFFFF00, s8;
	s13 =	sand.u32 $0x70, s7  }
0xa1: {  	s12 =	sor.u32 s13, s12  }
0xa2: {  	s12 =	sshrl.u32 s12, $0x3  }
0xa3: {  	s12 =	sadd.s32 s4, s12  }
0xa4: {  	[smem:s10], [sflag:s9] =	dma.local [hbm:s12], $0x2  }
0xa5: {  	s12 =	sadd.s32 $0x10, s12  }
0xa6: {  	[smem:s11], [sflag:s9] =	dma.local [hbm:s12], $0x2  }
0xa7: {  	_ =	swait.ge [sflag:s9], $0x2  }
0xa8: {  	[sflag:s9] =	ssyncset.done $0x0  }
0xa9: {  	[sflag:s9] =	ssyncadd.s32 $0xFFFFFFFE;
	_ =	sdelay $0x2  }
0xaa: {  	_ =	swait.ge [sflag:s9], $0x2  }
0xab: {  	[sflag:s9] =	ssyncset.done $0x0  }
0xac: {  	[sflag:s9] =	ssyncadd.s32 $0xFFFFFFFE  }
0xad: {  	s28 =	sld [smem:$0x10]  }
0xae: {  	s14 =	sld [smem:$0x11]  }
0xaf: {  	s29 =	sld [smem:$0x90]  }
0xb0: {  	s15 =	sld [smem:$0x91]  }
0xb1: {  	s16 =	sld [smem:$0x92]  }
0xb2: {  	s17 =	sld [smem:$0x93]  }
0xb3: {  	s18 =	sld [smem:$0x12]  }
0xb4: {  	s19 =	sld [smem:$0x13]  }
0xb5: {  	s30 =	sld [smem:$0x94]  }
0xb6: {  	s31 =	sld [smem:$0x95]  }
0xb7: {  	s20 =	sld [smem:$0x96]  }
0xb8: {  	s21 =	sld [smem:$0x14]  }
0xb9: {  	s22 =	sld [smem:$0x15]  }
0xba: {  	s23 =	sld [smem:$0x16]  }
0xbb: {  	s24 =	sld [smem:$0x97]  }
0xbc: {  	s25 =	sld [smem:$0x98]  }
0xbd: {  	s13 =	smov.u32 s7;
	s12 =	smov.u32 s7;
	s26 =	sld [smem:$0x99]  }
0xbe: {  	p0 =	seq.s32 s29, $0x2;
	p2 =	seq.s32 s28, $0x2;
	s28 =	sld [smem:$0x17]  }
0xbf: {  	p1 =	seq.s32 s16, $0x2;
	p3 =	seq.s32 s30, $0x2;
	s29 =	sld [smem:$0x18]  }
0xc0: {  	s30 =	sld [smem:$0x19];
	s16 =	sadd.s32 $0x8, s7;
	s12 =	simm.s32 @!p0 $0xFFFFFFFF  }
0xc1: {  	p0 =	seq.s32 s15, $0x2;
	s15 =	sadd.s32 $0x1, s7;
	s13 =	simm.s32 @!p2 $0xFFFFFFFF  }
0xc2: {  	p2 =	seq.s32 s14, $0x2;
	s14 =	sadd.s32 $0x2, s7;
	s12 =	smov.u32 @p0 s15  }
0xc3: {  	p0 =	seq.s32 s17, $0x2;
	s13 =	smov.u32 @p2 s15;
	p2 =	seq.s32 s18, $0x2  }
0xc4: {  	s17 =	sadd.s32 $0x3, s7;
	s15 =	sadd.s32 $0x4, s7;
	s18 =	sadd.s32 $0x5, s7  }
0xc5: {  	s12 =	smov.u32 @p1 s14;
	s13 =	smov.u32 @p2 s14;
	p1 =	seq.s32 s31, $0x2  }
0xc6: {  	p2 =	seq.s32 s19, $0x2;
	s31 =	sld [smem:$0x9A];
	s14 =	sadd.s32 $0xF, s7  }
0xc7: {  	s12 =	smov.u32 @p0 s17;
	p0 =	seq.s32 s20, $0x2;
	s13 =	smov.u32 @p2 s17  }
0xc8: {  	p2 =	seq.s32 s21, $0x2;
	s17 =	sadd.s32 $0x6, s7;
	s20 =	sld [smem:$0x9B]  }
0xc9: {  	s21 =	sld [smem:$0x9C];
	s12 =	smov.u32 @p3 s15;
	s13 =	smov.u32 @p2 s15  }
0xca: {  	p2 =	seq.s32 s22, $0x2;
	p3 =	seq.s32 s24, $0x2;
	s22 =	sld [smem:$0x1A]  }
0xcb: {  	s15 =	sadd.s32 $0x7, s7;
	s24 =	sld [smem:$0x1C];
	s12 =	smov.u32 @p1 s18  }
0xcc: {  	s13 =	smov.u32 @p2 s18;
	p2 =	seq.s32 s23, $0x2;
	s23 =	sld [smem:$0x1B]  }
0xcd: {  	p1 =	seq.s32 s25, $0x2;
	s25 =	sld [smem:$0x9D];
	s12 =	smov.u32 @p0 s17  }
0xce: {  	p0 =	seq.s32 s26, $0x2;
	s13 =	smov.u32 @p2 s17;
	s26 =	sld [smem:$0x9E]  }
0xcf: {  	p2 =	seq.s32 s28, $0x2;
	s17 =	sadd.s32 $0x9, s7;
	s28 =	sld [smem:$0x1D]  }
0xd0: {  	s12 =	smov.u32 @p3 s15;
	s13 =	smov.u32 @p2 s15;
	p2 =	seq.s32 s29, $0x2  }
0xd1: {  	p3 =	seq.s32 s31, $0x2;
	s15 =	sadd.s32 $0xA, s7;
	s29 =	sld [smem:$0x1E]  }
0xd2: {  	s31 =	sld [smem:$0x1F];
	s12 =	smov.u32 @p1 s16;
	s13 =	smov.u32 @p2 s16  }
0xd3: {  	p1 =	seq.s32 s20, $0x2;
	p2 =	seq.s32 s30, $0x2;
	s30 =	sld [smem:$0x9F]  }
0xd4: {  	s16 =	sadd.s32 $0xD, s7;
	s12 =	smov.u32 @p0 s17;
	p0 =	seq.s32 s21, $0x2  }
0xd5: {  	s13 =	smov.u32 @p2 s17;
	p2 =	seq.s32 s22, $0x2;
	s17 =	sadd.s32 $0xC, s7  }
0xd6: {  	s12 =	smov.u32 @p3 s15;
	s13 =	smov.u32 @p2 s15;
	s15 =	sadd.s32 $0xB, s7  }
0xd7: {  	p2 =	seq.s32 s23, $0x2;
	s12 =	smov.u32 @p1 s15;
	p1 =	seq.s32 s25, $0x2  }
0xd8: {  	s13 =	smov.u32 @p2 s15;
	s12 =	smov.u32 @p0 s17;
	p0 =	seq.s32 s24, $0x2  }
0xd9: {  	p2 =	seq.s32 s26, $0x2;
	s13 =	smov.u32 @p0 s17;
	p0 =	seq.s32 s28, $0x2  }
0xda: {  	s12 =	smov.u32 @p1 s16;
	s13 =	smov.u32 @p0 s16;
	s16 =	sadd.s32 $0xE, s7  }
0xdb: {  	p1 =	seq.s32 s29, $0x2;
	p0 =	seq.s32 s30, $0x2;
	s12 =	smov.u32 @p2 s16  }
0xdc: {  	s13 =	smov.u32 @p1 s16;
	p1 =	seq.s32 s31, $0x2;
	s12 =	smov.u32 @p0 s14  }
0xdd: {  	s13 =	smov.u32 @p1 s14;
	p0 =	slt.s32 s6, $0x0;
	p1 =	slt.s32 s5, $0x0  }
0xde: {  	s6 =	smov.u32 @p0 s13;
	s5 =	smov.u32 @p1 s12  }
0xdf: {  	p0 =	seq.s32 s7, $0x0;
	s12 =	sor.u32 s6, s5  }
0xe0: {  	p1 =	slt.s32 @!p0 s12, $0x0  }
0xe1: {  	p0 =	por p0, !p1  }
.Ltmp0:
0xe2: {  	_ = 	snop;
	(pc) =	sbr.rel @!p0 .LBB1_1-.Ltmp0, $2  }
0xe3: {  	_ =	sdelay $0x1  }
0xe4: {  	s8 =	sadd.s32 $0xFFFFFFE0, s8;
	s7 =	sadd.s32 $0xFFFFFFF0, s7  }
0xe5: {  	_ = 	snop  }
0xe6: {  	p0 =	slt.s32 s6, $0x0;
	s4 =	simm.s32 $0x9  }
0xe7: {  	p1 =	seq.s32 @!p0 s6, $0x7FF;
	_ =	swait.ge [sflag:s4], $0x80  }
0xe8: {  	p0 =	por p1, p0;
	p1 =	slt.s32 s5, $0x0;
	[sflag:s4] =	ssyncset.done $0x0  }
0xe9: {  	s7 =	sshll.u32 @!p0 s6, $0xA;
	s6 =	sshll.u32 @!p0 s6, $0x7;
	[sflag:s4] =	ssyncadd.s32 $0xFFFFFF80  }
0xea: {  	p2 =	seq.s32 @!p1 s5, $0x7FF;
	s7 =	sand.u32 @!p0 $0xFFFFE000, s7;
	s6 =	sand.u32 @!p0 $0x380, s6  }
0xeb: {  	s8 =	simm.s32 @!p0 $0x80;
	s9 =	simm.s32 @!p0 $0xC;
	s6 =	sor.u32 @!p0 s6, s7  }
0xec: {  	p1 =	por p2, p1;
	s6 =	sadd.s32 @!p0 $0x3000000, s6;
	_ =	swait.ge [sflag:s4], $0x80  }
0xed: {  	s7 =	simm.s32 @!p0 $0x20;
	s6 =	sshrl.u32 @!p0 s6, $0x3;
	[sflag:s4] =	ssyncset.done $0x0  }
0xee: {  	[sflag:s4] =	ssyncadd.s32 $0xFFFFFF80;
	s4 =	sadd.s32 @!p0 s0, s6;
	s6 =	simm.s32 @!p0 $0x1  }
0xef: {  	[hbm:s1@s7], [sflag:s9] =	dma.strided @!p0 [hbm:s4@s8], $0x80, s6, $0x10   }
0xf0: {  	s1 =	sshll.u32 @!p1 s5, $0xA;
	s4 =	sshll.u32 @!p1 s5, $0x7  }
0xf1: {  	s1 =	sand.u32 @!p1 $0xFFFFE000, s1;
	s4 =	sand.u32 @!p1 $0x380, s4  }
0xf2: {  	s1 =	sor.u32 @!p1 s4, s1;
	_ =	swait.ge @!p0 [sflag:s9], $0x80  }
0xf3: {  	s5 =	simm.s32 @!p1 $0x80;
	s1 =	sadd.s32 @!p1 $0x3200000, s1;
	[sflag:s9] =	ssyncset.done @!p0 $0x0  }
0xf4: {  	s6 =	simm.s32 @!p1 $0xB;
	s1 =	sshrl.u32 @!p1 s1, $0x3;
	[sflag:s9] =	ssyncadd.s32 @!p0 $0xFFFFFF80  }
0xf5: {  	s4 =	simm.s32 @!p1 $0x20;
	s0 =	sadd.s32 @!p1 s0, s1;
	s1 =	simm.s32 @!p1 $0x1  }
0xf6: {  	[hbm:s3@s4], [sflag:s6] =	dma.strided @!p1 [hbm:s0@s5], $0x80, s1, $0x10   }
0xf7: {  	_ =	swait.ge @!p1 [sflag:s6], $0x80  }
0xf8: {  	[sflag:s6] =	ssyncset.done @!p1 $0x0  }
0xf9: {  	[sflag:s6] =	ssyncadd.s32 @!p1 $0xFFFFFF80  }
0xfa: {  	_ =	strace $0x90000046  }
0xfb: {  	_ =	sfence  }
0xfc: {  	s28 =	sld [smem:$0x0];
	_ =	sdelay $0x2  }
0xfd: {  	s29 =	sshll.u32 s2, $0xD;
	s30 =	sshrl.u32 s2, $0x2  }
0xfe: {  	s31 =	sand.u32 $0x1, s2;
	s1 =	sand.u32 $0x4000, s29;
	s0 =	sadd.s32 s30, s28  }
0xff: {  	s1 =	sor.u32 s1, s31;
	s0 =	sshll.u32 s0, $0x11  }
0x100: {  	s0 =	sor.u32 s0, s1  }
0x101: {  	s0 =	sadd.s32 $0x8F2B, s0;
	(pc) =	sbr.abs _section_cstart, $3  }
0x102: {  	[sflag:s0] =	ssyncadd.remote.s32 $0x1  }
0x103: {  	_ =	strace $0x9FFFFFFF  }
0x104: {  	(tm) =	ssettm $0x7FFFFFFF  }
0x105: {  	_ =	shalt  }

</sc_bundles>
